<compile_context>
chip_gen: v7x
topology: tpu7x:2x2x1
jax: 0.10.2.dev20260603
libtpu: 0.0.44.dev20260713+nightly
codegen_flags: <defaults>
</compile_context>

<pallas_src>
import functools

import jax
import jax.numpy as jnp
from jax import lax
from jax.experimental import pallas as pl
from jax.experimental.pallas import tpu as pltpu
from jax.experimental.pallas import tpu_sc as plsc

_NUM_CORES = 2
_NUM_SUBCORES = 16
_NUM_WORKERS = _NUM_CORES * _NUM_SUBCORES

_COLS = 2048

_CHUNK = 640
_NBUF = 2


def _tc_pack(tt):
    n = tt.shape[1]
    grid = (n + _COLS - 1) // _COLS

    def body(tt_ref, out_ref):
        xt = jnp.transpose(tt_ref[...], (1, 0))
        x3 = xt.reshape(_COLS // 4, 4, 32)
        for a in range(4):
            out_ref[:, 32 * a:32 * (a + 1)] = x3[:, a, :]

    return pl.pallas_call(
        body,
        grid=(grid,),
        in_specs=[pl.BlockSpec((32, _COLS), lambda g: (0, g))],
        out_specs=pl.BlockSpec((_COLS // 4, 128), lambda g: (g, 0)),
        out_shape=jax.ShapeDtypeStruct((n // 4, 128), jnp.float32),
    )(tt)


def _sc_gather(idx, table_lin):
    n = idx.shape[0]
    d = table_lin.shape[1]
    per_w = n // _NUM_WORKERS
    n_chunks = per_w // _CHUNK
    mesh = plsc.VectorSubcoreMesh(
        core_axis_name="c", subcore_axis_name="s",
        num_cores=_NUM_CORES, num_subcores=_NUM_SUBCORES)

    @functools.partial(
        pl.kernel,
        out_type=jax.ShapeDtypeStruct((n, d), jnp.float32),
        mesh=mesh,
        scratch_types=[
            pltpu.VMEM((per_w,), jnp.int32),
            [pltpu.VMEM((_CHUNK, d), jnp.float32)] * _NBUF,
            [pltpu.SemaphoreType.DMA] * _NBUF,
            [pltpu.SemaphoreType.DMA] * _NBUF,
        ],
        compiler_params=pltpu.CompilerParams(use_tc_tiling_on_sc=False),
    )
    def k(idx_hbm, table_hbm, out_hbm, idx_v, rows, gsem, wsem):
        wid = lax.axis_index("s") * _NUM_CORES + lax.axis_index("c")
        base = wid * per_w
        pltpu.sync_copy(idx_hbm.at[pl.ds(base, per_w)], idx_v)

        def start_gather(c, b):
            pltpu.async_copy(
                table_hbm.at[idx_v.at[pl.ds(c * _CHUNK, _CHUNK)]],
                rows[b], gsem[b])

        for b in range(_NBUF):
            start_gather(b, b)

        @pl.loop(0, n_chunks, step=_NBUF)
        def _chunk_loop(c0):
            for b in range(_NBUF):
                c = c0 + b
                pltpu.make_async_copy(
                    table_hbm.at[idx_v.at[pl.ds(c * _CHUNK, _CHUNK)]],
                    rows[b], gsem[b]).wait()
                dst = out_hbm.at[pl.ds(base + c * _CHUNK, _CHUNK)]
                pltpu.async_copy(rows[b], dst, wsem[b])
                pltpu.make_async_copy(rows[b], dst, wsem[b]).wait()

                @pl.when(c + _NBUF < n_chunks)
                def _():
                    start_gather(c + _NBUF, b)

    return k(idx, table_lin)


def kernel(key, table):
    idx = key.reshape(-1)
    table_w = _tc_pack(table.T)
    table_lin = table_w.reshape(table.shape)
    out = _sc_gather(idx, table_lin)
    return out.reshape(key.shape + (table.shape[1],))

# --- scband reference (transcript-rebuilt; emitter-appended) ---
"""Pipeline reference for scband-mac-67224828117051 (READ-ONLY COPY).

The authoritative reference and input builder live on the scoring server;
editing this copy changes nothing except your own understanding.
"""

import jax, jax.numpy as jnp
import numpy as np

VOCAB = 1000000
D = 32
B = 4096
L = 50

def setup_inputs(seed: int = 0) -> dict:
    key = jax.random.key(seed)
    k1, k2 = jax.random.split(key)
    idx = jax.random.randint(k1, (B, L), 0, VOCAB, dtype=jnp.int64 if jax.config.jax_enable_x64 else jnp.int32)
    table = jax.random.normal(k2, (VOCAB, D), dtype=jnp.float32) * 0.02
    return {"key": idx, "table": table}

def reference(key, table):
    # nn.Embedding lookup: gather rows of the table
    key_ebd = jnp.take(table, key, axis=0)
    return key_ebd

if __name__ == "__main__":
    import jax
    _d = setup_inputs()
    print(jax.jit(kernel)(*tuple(_d.values())))

</pallas_src>

<mosaic_0001>
#map = affine_map<(d0, d1) -> (0)>
#map1 = affine_map<(d0, d1) -> (0, 0)>
module attributes {stable_mosaic.version = 14 : i64} {
  func.func @k(%arg0: i32, %arg1: i32, %arg2: memref<204800xi32, #tpu.memory_space<hbm>>, %arg3: memref<1000000x32xf32, #tpu.memory_space<hbm>>, %arg4: memref<204800x32xf32, #tpu.memory_space<hbm>>, %arg5: memref<6400xi32, #tpu.memory_space<vmem>>, %arg6: memref<640x32xf32, #tpu.memory_space<vmem>>, %arg7: memref<640x32xf32, #tpu.memory_space<vmem>>, %arg8: memref<!tpu.dma_semaphore, #tpu.memory_space<semaphore_mem>>, %arg9: memref<!tpu.dma_semaphore, #tpu.memory_space<semaphore_mem>>, %arg10: memref<!tpu.dma_semaphore, #tpu.memory_space<semaphore_mem>>, %arg11: memref<!tpu.dma_semaphore, #tpu.memory_space<semaphore_mem>>) attributes {dimension_semantics = [#tpu.dimension_semantics<core_parallel>, #tpu.dimension_semantics<subcore_parallel>], iteration_bounds = array<i64: 2, 16>, scalar_prefetch = 0 : i64, scratch_operands = 7 : i64, tpu.core_type = #tpu.core_type<sc_vector_subcore>, window_params = [{transform_indices = #map}, {transform_indices = #map1}, {transform_indices = #map1}]} {
    %mul3A = arith.constant 2 : i32
    %mul3A_0 = arith.muli %arg1, %mul3A : i32
    %add3A = arith.addi %mul3A_0, %arg0 : i32
    %mul3A_1 = arith.constant 6400 : i32
    %mul3A_2 = arith.muli %add3A, %mul3A_1 : i32
    "tpu.region"() ({
      %run_scoped3A = tpu.sem_alloc : memref<!tpu.dma_semaphore, #tpu.memory_space<semaphore_mem>>
      %dma_start3A_16 = tpu.memref_slice %arg2[%mul3A_2] : memref<204800xi32, #tpu.memory_space<hbm>> -> memref<6400xi32, #tpu.memory_space<hbm>>
      %dma_start3A_17 = tpu.memref_slice %arg2[%mul3A_2] : memref<204800xi32, #tpu.memory_space<hbm>> -> memref<6400xi32, #tpu.memory_space<hbm>>
      tpu.enqueue_dma source(%dma_start3A_17 : memref<6400xi32, #tpu.memory_space<hbm>>) target(%arg5 : memref<6400xi32, #tpu.memory_space<vmem>>) target_semaphore(%run_scoped3A : memref<!tpu.dma_semaphore, #tpu.memory_space<semaphore_mem>>)
      %dma_wait3A = tpu.memref_slice %arg2[%mul3A_2] : memref<204800xi32, #tpu.memory_space<hbm>> -> memref<6400xi32, #tpu.memory_space<hbm>>
      %dma_wait3A_18 = tpu.memref_slice %arg2[%mul3A_2] : memref<204800xi32, #tpu.memory_space<hbm>> -> memref<6400xi32, #tpu.memory_space<hbm>>
      tpu.wait_dma2 semaphore(%run_scoped3A : memref<!tpu.dma_semaphore, #tpu.memory_space<semaphore_mem>>) src(%dma_wait3A_18 : memref<6400xi32, #tpu.memory_space<hbm>>) dst(%arg5 : memref<6400xi32, #tpu.memory_space<vmem>>)
      tpu.yield
    }) : () -> ()
    %dma_start3A = arith.constant 0 : i32
    %dma_start3A_3 = tpu.memref_slice %arg5[%dma_start3A] : memref<6400xi32, #tpu.memory_space<vmem>> -> memref<640xi32, #tpu.memory_space<vmem>>
    %dma_start3A_4 = arith.constant 0 : i32
    %dma_start3A_5 = arith.constant 0 : i32
    %dma_start3A_6 = tpu.memref_slice %arg3[%dma_start3A_4, %dma_start3A_5] : memref<1000000x32xf32, #tpu.memory_space<hbm>> -> memref<1000000x32xf32, #tpu.memory_space<hbm>>
    tpu.enqueue_indirect_dma source(%dma_start3A_6 : memref<1000000x32xf32, #tpu.memory_space<hbm>>) target(%arg6 : memref<640x32xf32, #tpu.memory_space<vmem>>) offsets(%dma_start3A_3 : memref<640xi32, #tpu.memory_space<vmem>>) semaphore(%arg8 : memref<!tpu.dma_semaphore, #tpu.memory_space<semaphore_mem>>)
    %dma_start3A_7 = arith.constant 640 : i32
    %dma_start3A_8 = tpu.memref_slice %arg5[%dma_start3A_7] : memref<6400xi32, #tpu.memory_space<vmem>> -> memref<640xi32, #tpu.memory_space<vmem>>
    %dma_start3A_9 = arith.constant 0 : i32
    %dma_start3A_10 = arith.constant 0 : i32
    %dma_start3A_11 = tpu.memref_slice %arg3[%dma_start3A_9, %dma_start3A_10] : memref<1000000x32xf32, #tpu.memory_space<hbm>> -> memref<1000000x32xf32, #tpu.memory_space<hbm>>
    tpu.enqueue_indirect_dma source(%dma_start3A_11 : memref<1000000x32xf32, #tpu.memory_space<hbm>>) target(%arg7 : memref<640x32xf32, #tpu.memory_space<vmem>>) offsets(%dma_start3A_8 : memref<640xi32, #tpu.memory_space<vmem>>) semaphore(%arg9 : memref<!tpu.dma_semaphore, #tpu.memory_space<semaphore_mem>>)
    %scan3A = arith.constant 0 : i32
    %scan3A_12 = arith.constant 5 : i32
    %scan3A_13 = arith.addi %scan3A, %scan3A_12 : i32
    %scan3A_14 = arith.constant 1 : i32
    scf.for %scan3A_16 = %scan3A to %scan3A_13 step %scan3A_14  : i32 {
      %mul3A_17 = arith.constant 2 : i32
      %mul3A_18 = arith.muli %scan3A_16, %mul3A_17 : i32
      %add3A_19 = arith.constant 0 : i32
      %add3A_20 = arith.addi %add3A_19, %mul3A_18 : i32
      %add3A_21 = arith.constant 0 : i32
      %add3A_22 = arith.addi %add3A_20, %add3A_21 : i32
      %mul3A_23 = arith.constant 640 : i32
      %mul3A_24 = arith.muli %add3A_22, %mul3A_23 : i32
      %dma_wait3A = tpu.memref_slice %arg5[%mul3A_24] : memref<6400xi32, #tpu.memory_space<vmem>> -> memref<640xi32, #tpu.memory_space<vmem>>
      %dma_wait3A_25 = arith.constant 0 : i32
      %dma_wait3A_26 = arith.constant 0 : i32
      %dma_wait3A_27 = tpu.memref_slice %arg3[%dma_wait3A_25, %dma_wait3A_26] : memref<1000000x32xf32, #tpu.memory_space<hbm>> -> memref<1000000x32xf32, #tpu.memory_space<hbm>>
      tpu.wait_indirect_dma semaphore(%arg8 : memref<!tpu.dma_semaphore, #tpu.memory_space<semaphore_mem>>) src(%dma_wait3A_27 : memref<1000000x32xf32, #tpu.memory_space<hbm>>) dst(%arg6 : memref<640x32xf32, #tpu.memory_space<vmem>>)
      %mul3A_28 = arith.constant 640 : i32
      %mul3A_29 = arith.muli %add3A_22, %mul3A_28 : i32
      %add3A_30 = arith.addi %mul3A_2, %mul3A_29 : i32
      %dma_start3A_31 = arith.constant 0 : i32
      %dma_start3A_32 = tpu.memref_slice %arg4[%add3A_30, %dma_start3A_31] : memref<204800x32xf32, #tpu.memory_space<hbm>> -> memref<640x32xf32, #tpu.memory_space<hbm>>
      %dma_start3A_33 = arith.constant 0 : i32
      %dma_start3A_34 = tpu.memref_slice %arg4[%add3A_30, %dma_start3A_33] : memref<204800x32xf32, #tpu.memory_space<hbm>> -> memref<640x32xf32, #tpu.memory_space<hbm>>
      tpu.enqueue_dma source(%arg6 : memref<640x32xf32, #tpu.memory_space<vmem>>) target(%dma_start3A_34 : memref<640x32xf32, #tpu.memory_space<hbm>>) target_semaphore(%arg10 : memref<!tpu.dma_semaphore, #tpu.memory_space<semaphore_mem>>)
      %dma_wait3A_35 = arith.constant 0 : i32
      %dma_wait3A_36 = tpu.memref_slice %arg4[%add3A_30, %dma_wait3A_35] : memref<204800x32xf32, #tpu.memory_space<hbm>> -> memref<640x32xf32, #tpu.memory_space<hbm>>
      %dma_wait3A_37 = arith.constant 0 : i32
      %dma_wait3A_38 = tpu.memref_slice %arg4[%add3A_30, %dma_wait3A_37] : memref<204800x32xf32, #tpu.memory_space<hbm>> -> memref<640x32xf32, #tpu.memory_space<hbm>>
      tpu.wait_dma2 semaphore(%arg10 : memref<!tpu.dma_semaphore, #tpu.memory_space<semaphore_mem>>) src(%arg6 : memref<640x32xf32, #tpu.memory_space<vmem>>) dst(%dma_wait3A_38 : memref<640x32xf32, #tpu.memory_space<hbm>>)
      %add3A_39 = arith.constant 2 : i32
      %add3A_40 = arith.addi %add3A_22, %add3A_39 : i32
      %lt3A = arith.constant 10 : i32
      %lt3A_41 = arith.cmpi slt, %add3A_40, %lt3A : i32
      %convert_element_type3A = arith.extui %lt3A_41 : i1 to i32
      %cond3A = arith.constant 0 : i32
      %cond3A_42 = arith.cmpi ne, %convert_element_type3A, %cond3A : i32
      scf.if %cond3A_42 {
        %add3A_69 = arith.constant 2 : i32
        %add3A_70 = arith.addi %add3A_22, %add3A_69 : i32
        %mul3A_71 = arith.constant 640 : i32
        %mul3A_72 = arith.muli %add3A_70, %mul3A_71 : i32
        %dma_start3A_73 = tpu.memref_slice %arg5[%mul3A_72] : memref<6400xi32, #tpu.memory_space<vmem>> -> memref<640xi32, #tpu.memory_space<vmem>>
        %dma_start3A_74 = arith.constant 0 : i32
        %dma_start3A_75 = arith.constant 0 : i32
        %dma_start3A_76 = tpu.memref_slice %arg3[%dma_start3A_74, %dma_start3A_75] : memref<1000000x32xf32, #tpu.memory_space<hbm>> -> memref<1000000x32xf32, #tpu.memory_space<hbm>>
        tpu.enqueue_indirect_dma source(%dma_start3A_76 : memref<1000000x32xf32, #tpu.memory_space<hbm>>) target(%arg6 : memref<640x32xf32, #tpu.memory_space<vmem>>) offsets(%dma_start3A_73 : memref<640xi32, #tpu.memory_space<vmem>>) semaphore(%arg8 : memref<!tpu.dma_semaphore, #tpu.memory_space<semaphore_mem>>)
      } else {
      }
      %add3A_43 = arith.constant 1 : i32
      %add3A_44 = arith.addi %add3A_20, %add3A_43 : i32
      %mul3A_45 = arith.constant 640 : i32
      %mul3A_46 = arith.muli %add3A_44, %mul3A_45 : i32
      %dma_wait3A_47 = tpu.memref_slice %arg5[%mul3A_46] : memref<6400xi32, #tpu.memory_space<vmem>> -> memref<640xi32, #tpu.memory_space<vmem>>
      %dma_wait3A_48 = arith.constant 0 : i32
      %dma_wait3A_49 = arith.constant 0 : i32
      %dma_wait3A_50 = tpu.memref_slice %arg3[%dma_wait3A_48, %dma_wait3A_49] : memref<1000000x32xf32, #tpu.memory_space<hbm>> -> memref<1000000x32xf32, #tpu.memory_space<hbm>>
      tpu.wait_indirect_dma semaphore(%arg9 : memref<!tpu.dma_semaphore, #tpu.memory_space<semaphore_mem>>) src(%dma_wait3A_50 : memref<1000000x32xf32, #tpu.memory_space<hbm>>) dst(%arg7 : memref<640x32xf32, #tpu.memory_space<vmem>>)
      %mul3A_51 = arith.constant 640 : i32
      %mul3A_52 = arith.muli %add3A_44, %mul3A_51 : i32
      %add3A_53 = arith.addi %mul3A_2, %mul3A_52 : i32
      %dma_start3A_54 = arith.constant 0 : i32
      %dma_start3A_55 = tpu.memref_slice %arg4[%add3A_53, %dma_start3A_54] : memref<204800x32xf32, #tpu.memory_space<hbm>> -> memref<640x32xf32, #tpu.memory_space<hbm>>
      %dma_start3A_56 = arith.constant 0 : i32
      %dma_start3A_57 = tpu.memref_slice %arg4[%add3A_53, %dma_start3A_56] : memref<204800x32xf32, #tpu.memory_space<hbm>> -> memref<640x32xf32, #tpu.memory_space<hbm>>
      tpu.enqueue_dma source(%arg7 : memref<640x32xf32, #tpu.memory_space<vmem>>) target(%dma_start3A_57 : memref<640x32xf32, #tpu.memory_space<hbm>>) target_semaphore(%arg11 : memref<!tpu.dma_semaphore, #tpu.memory_space<semaphore_mem>>)
      %dma_wait3A_58 = arith.constant 0 : i32
      %dma_wait3A_59 = tpu.memref_slice %arg4[%add3A_53, %dma_wait3A_58] : memref<204800x32xf32, #tpu.memory_space<hbm>> -> memref<640x32xf32, #tpu.memory_space<hbm>>
      %dma_wait3A_60 = arith.constant 0 : i32
      %dma_wait3A_61 = tpu.memref_slice %arg4[%add3A_53, %dma_wait3A_60] : memref<204800x32xf32, #tpu.memory_space<hbm>> -> memref<640x32xf32, #tpu.memory_space<hbm>>
      tpu.wait_dma2 semaphore(%arg11 : memref<!tpu.dma_semaphore, #tpu.memory_space<semaphore_mem>>) src(%arg7 : memref<640x32xf32, #tpu.memory_space<vmem>>) dst(%dma_wait3A_61 : memref<640x32xf32, #tpu.memory_space<hbm>>)
      %add3A_62 = arith.constant 2 : i32
      %add3A_63 = arith.addi %add3A_44, %add3A_62 : i32
      %lt3A_64 = arith.constant 10 : i32
      %lt3A_65 = arith.cmpi slt, %add3A_63, %lt3A_64 : i32
      %convert_element_type3A_66 = arith.extui %lt3A_65 : i1 to i32
      %cond3A_67 = arith.constant 0 : i32
      %cond3A_68 = arith.cmpi ne, %convert_element_type3A_66, %cond3A_67 : i32
      scf.if %cond3A_68 {
        %add3A_69 = arith.constant 2 : i32
        %add3A_70 = arith.addi %add3A_44, %add3A_69 : i32
        %mul3A_71 = arith.constant 640 : i32
        %mul3A_72 = arith.muli %add3A_70, %mul3A_71 : i32
        %dma_start3A_73 = tpu.memref_slice %arg5[%mul3A_72] : memref<6400xi32, #tpu.memory_space<vmem>> -> memref<640xi32, #tpu.memory_space<vmem>>
        %dma_start3A_74 = arith.constant 0 : i32
        %dma_start3A_75 = arith.constant 0 : i32
        %dma_start3A_76 = tpu.memref_slice %arg3[%dma_start3A_74, %dma_start3A_75] : memref<1000000x32xf32, #tpu.memory_space<hbm>> -> memref<1000000x32xf32, #tpu.memory_space<hbm>>
        tpu.enqueue_indirect_dma source(%dma_start3A_76 : memref<1000000x32xf32, #tpu.memory_space<hbm>>) target(%arg7 : memref<640x32xf32, #tpu.memory_space<vmem>>) offsets(%dma_start3A_73 : memref<640xi32, #tpu.memory_space<vmem>>) semaphore(%arg9 : memref<!tpu.dma_semaphore, #tpu.memory_space<semaphore_mem>>)
      } else {
      }
    }
    %scan3A_15 = arith.constant 5 : i32
    return
  }
}

module attributes {stable_mosaic.version = 14 : i64} {
  func.func @body(%arg0: i32, %arg1: memref<32x2048xf32, #tpu.memory_space<vmem>>, %arg2: memref<512x128xf32, #tpu.memory_space<vmem>>) attributes {dimension_semantics = [#tpu.dimension_semantics<arbitrary>], iteration_bounds = array<i64: 489>, scalar_prefetch = 0 : i64, scratch_operands = 0 : i64, tpu.core_type = #tpu.core_type<tc>, window_params = [{transform_indices = @transform_0, window_bounds = array<i64: 32, 2048>}, {transform_indices = @transform_1, window_bounds = array<i64: 512, 128>}]} {
    %get3A = arith.constant 0 : index
    %get3A_0 = arith.constant 0 : index
    %get3A_1 = vector.load %arg1[%get3A, %get3A_0] : memref<32x2048xf32, #tpu.memory_space<vmem>>, vector<32x2048xf32>
    %transpose3A = tpu.transpose %get3A_1, [1, 0] : vector<32x2048xf32> -> vector<2048x32xf32>
    %reshape3A = vector.shape_cast %transpose3A : vector<2048x32xf32> to vector<512x4x32xf32>
    %slice3A = vector.extract_strided_slice %reshape3A {offsets = [0, 0, 0], sizes = [512, 1, 32], strides = [1, 1, 1]} : vector<512x4x32xf32> to vector<512x1x32xf32>
    %squeeze3A = vector.shape_cast %slice3A : vector<512x1x32xf32> to vector<512x32xf32>
    %swap3A = arith.constant 0 : index
    %swap3A_2 = arith.constant 0 : index
    %swap3A_3 = vector.load %arg2[%swap3A, %swap3A_2] : memref<512x128xf32, #tpu.memory_space<vmem>>, vector<512x32xf32>
    tpu.vector_store %arg2[%swap3A, %swap3A_2], %squeeze3A {strides = array<i32>} : memref<512x128xf32, #tpu.memory_space<vmem>>, vector<512x32xf32>,
    %slice3A_4 = vector.extract_strided_slice %reshape3A {offsets = [0, 1, 0], sizes = [512, 1, 32], strides = [1, 1, 1]} : vector<512x4x32xf32> to vector<512x1x32xf32>
    %squeeze3A_5 = vector.shape_cast %slice3A_4 : vector<512x1x32xf32> to vector<512x32xf32>
    %swap3A_6 = arith.constant 0 : index
    %swap3A_7 = arith.constant 32 : index
    %swap3A_8 = vector.load %arg2[%swap3A_6, %swap3A_7] : memref<512x128xf32, #tpu.memory_space<vmem>>, vector<512x32xf32>
    tpu.vector_store %arg2[%swap3A_6, %swap3A_7], %squeeze3A_5 {strides = array<i32>} : memref<512x128xf32, #tpu.memory_space<vmem>>, vector<512x32xf32>,
    %slice3A_9 = vector.extract_strided_slice %reshape3A {offsets = [0, 2, 0], sizes = [512, 1, 32], strides = [1, 1, 1]} : vector<512x4x32xf32> to vector<512x1x32xf32>
    %squeeze3A_10 = vector.shape_cast %slice3A_9 : vector<512x1x32xf32> to vector<512x32xf32>
    %swap3A_11 = arith.constant 0 : index
    %swap3A_12 = arith.constant 64 : index
    %swap3A_13 = vector.load %arg2[%swap3A_11, %swap3A_12] : memref<512x128xf32, #tpu.memory_space<vmem>>, vector<512x32xf32>
    tpu.vector_store %arg2[%swap3A_11, %swap3A_12], %squeeze3A_10 {strides = array<i32>} : memref<512x128xf32, #tpu.memory_space<vmem>>, vector<512x32xf32>,
    %slice3A_14 = vector.extract_strided_slice %reshape3A {offsets = [0, 3, 0], sizes = [512, 1, 32], strides = [1, 1, 1]} : vector<512x4x32xf32> to vector<512x1x32xf32>
    %squeeze3A_15 = vector.shape_cast %slice3A_14 : vector<512x1x32xf32> to vector<512x32xf32>
    %swap3A_16 = arith.constant 0 : index
    %swap3A_17 = arith.constant 96 : index
    %swap3A_18 = vector.load %arg2[%swap3A_16, %swap3A_17] : memref<512x128xf32, #tpu.memory_space<vmem>>, vector<512x32xf32>
    tpu.vector_store %arg2[%swap3A_16, %swap3A_17], %squeeze3A_15 {strides = array<i32>} : memref<512x128xf32, #tpu.memory_space<vmem>>, vector<512x32xf32>,
    return
  }
  func.func @transform_0(%arg0: i32) -> (i32, i32) {
    %c0_i32 = arith.constant 0 : i32
    %c0_i32_0 = arith.constant 0 : i32
    return %c0_i32, %arg0 : i32, i32
  }
  func.func @transform_1(%arg0: i32) -> (i32, i32) {
    %c0_i32 = arith.constant 0 : i32
    %c0_i32_0 = arith.constant 0 : i32
    return %arg0, %c0_i32 : i32, i32
  }
}

</mosaic_0001>

<sc_bundles>
// kernel: kernel.4.cloned.1.call-start
scs
__scs_entry_jumppad:
0x0: {  	(pc) =	sbr.rel $0x88, $3  }
0x1: {  	(tag) =	ssettag $0x0;
	lr =	simm.s32 $0x1  }
0x2: {  	[smem:$0x3F9F] =	sst lr;
	_ =	strace $0xD0000000  }
0x3: {  	_ = 	snop  }
0x4: {  	_ = 	snop  }
0x5: {  	_ = 	snop  }
0x6: {  	_ = 	snop  }
0x7: {  	_ = 	snop  }
__scs_overlays_trampoline_lowered:
0x8: {  	[smem:$0x3FAE] =	sst s0  }
0x9: {  	[smem:$0x3FAF] =	sst s1  }
0xa: {  	[smem:$0x3FB0] =	sst s2  }
0xb: {  	[smem:$0x3FB1] =	sst s3  }
0xc: {  	[smem:$0x3FB2] =	sst s4  }
0xd: {  	[smem:$0x3FB3] =	sst s5  }
0xe: {  	[smem:$0x3FB4] =	sst s6  }
0xf: {  	[smem:$0x3FB5] =	sst s7  }
0x10: {  	[smem:$0x3FB6] =	sst s8  }
0x11: {  	[smem:$0x3FB7] =	sst s9;
	s0 =	simm.s32 @!p0 $0x0  }
0x12: {  	s1 =	sld [smem:$0x3F9D];
	s0 =	simm.s32 @p0 $0x1  }
0x13: {  	[smem:$0x3FB8] =	sst s0;
	s0 =	simm.s32 @!p1 $0x0  }
0x14: {  	s2 =	sld [smem:$0x3F9C];
	s0 =	simm.s32 @p1 $0x1  }
0x15: {  	[smem:$0x3FB9] =	sst s0;
	s0 =	simm.s32 @!p2 $0x0  }
0x16: {  	s3 =	sld [smem:$0x3FDB];
	s0 =	simm.s32 @p2 $0x1  }
0x17: {  	s4 =	simm.s32 $0x1BF5;
	[smem:$0x3FBB] =	sst s0  }
0x18: {  	s0 =	sld [smem:$0x3F9E];
	_ =	swait.ge [sflag:s4], $0x0  }
0x19: {  	s7 =	sld [smem:$0x3F9F]  }
0x1a: {  	s8 =	sadd.s32 $0xFFFFE003, lr  }
0x1b: {  	s9 =	sadd.s32 $0xFFFFFEF7, lr;
	s5 =	simm.s32 $0xFFFFFFFF;
	p2 =	slt.u32 s8, $0xFFFFF086  }
0x1c: {  	p1 =	slt.u32 s9, $0xF7A;
	s5 =	simm.s32 @!p2 $0x0  }
0x1d: {  	s5 =	simm.s32 @p1 $0x1;
	p0 =	seq.s32 s7, s2  }
0x1e: {  	s7 =	smul.u32 @!p0 $0xF7A, s2;
	p2 =	seq.s32 @!p0 s5, $0x0  }
0x1f: {  	s9 =	smul.u32 $0xF7A, s1;
	s8 =	simm.s32 @!p0 $0x1BF5;
	p2 =	por !p2, p0  }
0x20: {  	[sflag:s8] =	ssyncset.s32 @!p0 $0xFFFFF086;
	s6 =	sadd.s32 @!p0 s3, s7;
	s7 =	simm.s32 @!p0 $0x108  }
0x21: {  	s3 =	sadd.s32 s3, s9;
	s6 =	sadd.s32 @!p0 $0x88, s6;
	s7 =	simm.s32 @p2 $0x1082  }
0x22: {  	[simem:s7], [sflag:s8] =	dma.local @!p0 [hbm:s6], $0xF7A  }
0x23: {  	s9 =	sor.u32 $0xD0000000, s2;
	s6 =	simm.s32 $0x108;
	_ =	swait.ge @!p0 [sflag:s8], $0x0  }
0x24: {  	s3 =	sadd.s32 $0x88, s3;
	s6 =	simm.s32 @!p1 $0x1082;
	[sflag:s4] =	ssyncset.s32 $0xFFFFF086  }
0x25: {  	[simem:s6], [sflag:s4] =	dma.local [hbm:s3], $0xF7A  }
0x26: {  	[smem:$0x3F9F] =	sst s1;
	(tag) =	ssettag s2;
	_ =	strace s9  }
0x27: {  	s1 =	sld [smem:$0x3FAF]  }
0x28: {  	s2 =	sld [smem:$0x3FB0]  }
0x29: {  	s4 =	sld [smem:$0x3FB2]  }
0x2a: {  	p0 =	seq.s32 s5, $0x0;
	s5 =	sld [smem:$0x3FB3]  }
0x2b: {  	s6 =	sld [smem:$0x3FB4]  }
0x2c: {  	s7 =	sld [smem:$0x3FB5]  }
0x2d: {  	s3 =	simm.s32 $0x108;
	s8 =	sld [smem:$0x3FB6]  }
0x2e: {  	s3 =	simm.s32 @!p0 $0x1082;
	s9 =	sld [smem:$0x3FB7]  }
0x2f: {  	lr =	sadd.s32 s0, s3;
	s0 =	sld [smem:$0x3FAE]  }
0x30: {  	s3 =	sld [smem:$0x3FB1]  }
0x31: {  	[smem:$0x3FBA] =	sst s10  }
0x32: {  	s10 =	sld [smem:$0x3FB8];
	_ =	sdelay $0x3  }
0x33: {  	p0 =	seq.s32 s10, $0x1;
	s10 =	sld [smem:$0x3FBA];
	_ =	sdelay $0x3  }
0x34: {  	[smem:$0x3FBA] =	sst s10  }
0x35: {  	s10 =	sld [smem:$0x3FB9];
	_ =	sdelay $0x3  }
0x36: {  	p1 =	seq.s32 s10, $0x1;
	s10 =	sld [smem:$0x3FBA];
	_ =	sdelay $0x3  }
0x37: {  	[smem:$0x3FBA] =	sst s10  }
0x38: {  	s10 =	sld [smem:$0x3FBB]  }
0x39: {  	_ = 	snop;
	(pc) =	sbr.ind lr, $3  }
0x3a: {  	_ = 	snop  }
0x3b: {  	_ = 	snop  }
0x3c: {  	p2 =	seq.s32 s10, $0x1;
	s10 =	sld [smem:$0x3FBA]  }
0x3d: {  	_ =	shalt  }
0x3e: {  	_ =	shalt  }
0x3f: {  	_ =	shalt  }
0x40: {  	_ =	shalt  }
0x41: {  	_ =	shalt  }
0x42: {  	_ =	shalt  }
0x43: {  	_ =	shalt  }
0x44: {  	_ =	shalt  }
0x45: {  	_ =	shalt  }
0x46: {  	_ =	shalt  }
0x47: {  	_ =	shalt  }
0x48: {  	_ =	shalt  }
0x49: {  	_ =	shalt  }
0x4a: {  	_ =	shalt  }
0x4b: {  	_ =	shalt  }
0x4c: {  	_ =	shalt  }
0x4d: {  	_ =	shalt  }
0x4e: {  	_ =	shalt  }
0x4f: {  	_ =	shalt  }
0x50: {  	_ =	shalt  }
0x51: {  	_ =	shalt  }
0x52: {  	_ =	shalt  }
0x53: {  	_ =	shalt  }
0x54: {  	_ =	shalt  }
0x55: {  	_ =	shalt  }
0x56: {  	_ =	shalt  }
0x57: {  	_ =	shalt  }
0x58: {  	_ =	shalt  }
0x59: {  	_ =	shalt  }
0x5a: {  	_ =	shalt  }
0x5b: {  	_ =	shalt  }
0x5c: {  	_ =	shalt  }
0x5d: {  	_ =	shalt  }
0x5e: {  	_ =	shalt  }
0x5f: {  	_ =	shalt  }
0x60: {  	_ =	shalt  }
0x61: {  	_ =	shalt  }
0x62: {  	_ =	shalt  }
0x63: {  	_ =	shalt  }
0x64: {  	_ =	shalt  }
0x65: {  	_ =	shalt  }
0x66: {  	_ =	shalt  }
0x67: {  	_ =	shalt  }
0x68: {  	_ =	shalt  }
0x69: {  	_ =	shalt  }
0x6a: {  	_ =	shalt  }
0x6b: {  	_ =	shalt  }
0x6c: {  	_ =	shalt  }
0x6d: {  	_ =	shalt  }
0x6e: {  	_ =	shalt  }
0x6f: {  	_ =	shalt  }
0x70: {  	_ =	shalt  }
0x71: {  	_ =	shalt  }
0x72: {  	_ =	shalt  }
0x73: {  	_ =	shalt  }
0x74: {  	_ =	shalt  }
0x75: {  	_ =	shalt  }
0x76: {  	_ =	shalt  }
0x77: {  	_ =	shalt  }
0x78: {  	_ =	shalt  }
0x79: {  	_ =	shalt  }
0x7a: {  	_ =	shalt  }
0x7b: {  	_ =	shalt  }
0x7c: {  	_ =	shalt  }
0x7d: {  	_ =	shalt  }
0x7e: {  	_ =	shalt  }
0x7f: {  	_ =	shalt  }
0x80: {  	_ =	shalt  }
0x81: {  	_ =	shalt  }
0x82: {  	_ =	shalt  }
0x83: {  	_ =	shalt  }
0x84: {  	_ =	shalt  }
0x85: {  	_ =	shalt  }
0x86: {  	_ =	shalt  }
0x87: {  	_ =	shalt  }
.Lfunc_end0:
.L_simem_size_0:
called_computation_lowered:
.L_overlay_start_0:
0x88: {  	s2 =	sld [smem:$0x3FD9]  }
0x89: {  	s3 =	sld [smem:$0x3FFE];
	_ =	sdelay $0x1  }
0x8a: {  	s1 =	srdreg.scid  }
0x8b: {  	s0 =	sand.u32 $0x1, s1  }
0x8c: {  	s17 =	sshll.u32 s0, $0xA;
	s2 =	sadd.s32 s3, s2  }
0x8d: {  	s2 =	sadd.s32 s2, s17  }
0x8e: {  	[smem:$0x3FC6] =	sst s2  }
0x8f: {  	_ = 	snop  }
0x90: {  	s2 =	sld [smem:$0x3FD0];
	(tm) =	ssettm $0x1  }
0x91: {  	s18 =	sld [smem:$0x3FFB];
	_ =	sdelay $0x3  }
0x92: {  	_ =	strace s18  }
0x93: {  	s3 =	sld [smem:$0x3FFC];
	_ =	sdelay $0x3  }
0x94: {  	_ =	strace s3  }
0x95: {  	s3 =	sld [smem:$0x3FFD];
	_ =	sdelay $0x3  }
0x96: {  	_ =	strace s3  }
0x97: {  	_ =	strace $0x8FFFFFFF  }
0x98: {  	s19 =	sld [smem:$0x3FDB];
	_ =	sdelay $0x1  }
0x99: {  	s4 =	simm.s32 $_scs_section_size  }
0x9a: {  	s5 =	simm.s32 $_size__tile_overlayer_lowered;
	s6 =	simm.s32 $_tile_overlayer_lowered  }
0x9b: {  	s22 =	simm.s32 $0x1BFF;
	s21 =	sshll.u32 s6, $0x1;
	s3 =	sadd.s32 s4, s19  }
0x9c: {  	s7 =	simm.s32 $0x0;
	s20 =	sshll.u32 s5, $0x1;
	s5 =	sadd.s32 s21, s3  }
0x9d: {  	[timem:s7], [sflag:s22] =	dma.local [hbm:s5], s20  }
0x9e: {  	_ =	swait.ge [sflag:s22], s20  }
0x9f: {  	s4 =	ssub.s32 $0x0, s20;
	[sflag:s22] =	ssyncset.done $0x0  }
0xa0: {  	[sflag:s22] =	ssyncadd.s32 s4;
	_ =	sdelay $0x1  }
0xa1: {  	s23 =	simm.s32 $0x1B8B  }
0xa2: {  	_ =	swait.ge [sflag:s23], $0x1  }
0xa3: {  	[sflag:s23] =	ssyncset.done $0x0  }
0xa4: {  	s25 =	simm.s32 $0x1B8E;
	s24 =	sld [smem:$0x3FFE];
	[sflag:s23] =	ssyncadd.s32 $0xFFFFFFFF  }
0xa5: {  	s26 =	simm.s32 $execute0_lowered;
	[smem:$0x3FD2] =	sst s25  }
0xa6: {  	s5 =	sshll.u32 s26, $0x1;
	_ =	strace $0x80000046;
	[dreg:$0x1] =	wrdreg $0xFFFFFFFF  }
0xa7: {  	s28 =	simm.s32 $_size_execute0_lowered;
	s3 =	sadd.s32 s3, s5;
	[dreg:$0x0] =	wrdreg $0x0  }
0xa8: {  	s5 =	sshll.u32 s28, $0x1;
	[dreg:$0x2] =	wrdreg s3  }
0xa9: {  	[dreg:$0x3] =	wrdreg s5  }
0xaa: {  	[dreg:$0x4] =	wrdreg $0xC0  }
0xab: {  	_ =	task [dreg:s7], $0x5FFFF  }
0xac: {  	[dreg:$0x1] =	wrdreg $0xFFFFFFFF  }
0xad: {  	[dreg:$0x0] =	wrdreg $0x60  }
0xae: {  	[dreg:$0x2] =	wrdreg s24  }
0xaf: {  	[dreg:$0x3] =	wrdreg s2  }
0xb0: {  	[dreg:$0x4] =	wrdreg $0x9  }
0xb1: {  	_ =	task.clear_ibuf [dreg:s7], $0x5FFFF;
	_ =	strace $0x90000046  }
0xb2: {  	s29 =	simm.s32 $0x9;
	_ =	strace $0x80000048  }
0xb3: {  	_ =	swait.ge [sflag:s29], $0x1  }
0xb4: {  	[sflag:s29] =	ssyncadd.s32 $0xFFFFFFFF  }
0xb5: {  	_ =	strace $0x90000048  }
0xb6: {  	_ =	sfence  }
0xb7: {  	s30 =	sld [smem:$0x0];
	_ =	sdelay $0x2  }
0xb8: {  	s31 =	sshll.u32 s1, $0xD;
	s1 =	sshrl.u32 s1, $0x2  }
0xb9: {  	s3 =	sand.u32 $0x4000, s31;
	s1 =	sadd.s32 s1, s30  }
0xba: {  	s0 =	sor.u32 s3, s0;
	s1 =	sshll.u32 s1, $0x11  }
0xbb: {  	s0 =	sor.u32 s1, s0  }
0xbc: {  	s0 =	sadd.s32 $0x8F2B, s0  }
0xbd: {  	[sflag:s0] =	ssyncadd.remote.s32 $0x1  }
0xbe: {  	_ =	sfence.sel $0xFFFF  }
0xbf: {  	[dreg:$0x0] =	wrdreg $0xFFFFFFFF;
	(pc) =	sbr.abs _section_cstart, $3  }
0xc0: {  	[dreg:$0x1] =	wrdreg $0xFFFFFFFF  }
0xc1: {  	_ =	task.clear_ibuf [dreg:s7], $0x2FFFF;
	_ =	strace $0x9FFFFFFF  }
0xc2: {  	(tm) =	ssettm $0x7FFFFFFF  }
0xc3: {  	_ =	shalt  }
tec
execute0_lowered:
.L_overlay_start_1:
0x0: {  	(tag) =	ssettag $0x1  }
0x1: {  	s1 =	srdreg.scid;
	s0 =	stileid.u32  }
0x2: {  	s30 =	sand.u32 $0x1, s1;
	s26 =	sshll.u32 s0, $0x1  }
0x3: {  	s9 =	sor.u32 s30, s26  }
0x4: {  	s3 =	smul.u32 $0x320, s9  }
0x5: {  	s4 =	rddreg [dreg:$0x0]  }
0x6: {  	s10 =	rddreg [dreg:$0x1];
	s2 =	simm.s32 $0x0;
	s3 =	sadd.s32 s3, s4  }
0x7: {  	[smem:$0x7FF] =	sst s2;
	s3 =	sadd.s32 $0x400, s3  }
0x8: {  	_ =	strace $0x80000047;
	[dreg:$0x3] =	wrdreg s3  }
0x9: {  	s3 =	simm.s32 $0x5;
	s5 =	rddreg [dreg:$0x3]  }
0xa: {  	[tilespmem:s2], [sflag:$0x5] =	stream.linear.gather [hbm4b:s5+s2], $0x1900, $0x38;
	[tilespmem:$0xB900] =	vst v63  }
0xb: {  	_ =	swait.ge [sflag:s3], $0x1900  }
0xc: {  	s6 =	simm.s32 $0x1900;
	[sflag:s3] =	ssyncset.done $0x0  }
0xd: {  	s4 =	sadd.s32 $0x6800, s4;
	s5 =	simm.s32 $0x280;
	[sflag:s3] =	ssyncadd.s32 $0xFFFFE700  }
0xe: {  	[tilespmem:s6], [sflag:$0x1] =	stream.indirect.gather [hbm4b:s4+s5], $0x20, s2, s5, $0xb8;
	[tilespmem:$0xB900] =	vst v63  }
0xf: {  	s7 =	simm.s32 $0x6900;
	s8 =	simm.s32 $0x1  }
0x10: {  	[tilespmem:s7], [sflag:$0x2] =	stream.indirect.gather [hbm4b:s4+s5], $0x20, s5, s5, $0xb8;
	[tilespmem:$0xB900] =	vst v63  }
0x11: {  	s9 =	smul.u32 $0x6400, s9;
	_ =	swait.ge [sflag:s8], $0x5000  }
0x12: {  	[sflag:s8] =	ssyncset.done $0x0  }
0x13: {  	s9 =	sadd.s32 s10, s9;
	s10 =	simm.s32 $0x3;
	[sflag:s8] =	ssyncadd.s32 $0xFFFFB000  }
0x14: {  	[hbm4b:s9+s2] =	stream.linear.scatter [tilespmem:s6], [sflag:$0x3], $0x5000, $0x38;
	[tilespmem:$0xB900] =	vst v63  }
0x15: {  	_ =	swait.ge [sflag:s10], $0x5000  }
0x16: {  	[sflag:s10] =	ssyncset.done $0x0  }
0x17: {  	s11 =	simm.s32 $0x500;
	s12 =	simm.s32 $0x2;
	[sflag:s10] =	ssyncadd.s32 $0xFFFFB000  }
0x18: {  	[tilespmem:s6], [sflag:$0x1] =	stream.indirect.gather [hbm4b:s4+s5], $0x20, s11, s5, $0xb8;
	[tilespmem:$0xB900] =	vst v63  }
0x19: {  	_ =	swait.ge [sflag:s12], $0x5000  }
0x1a: {  	[sflag:s12] =	ssyncset.done $0x0  }
0x1b: {  	s13 =	simm.s32 $0x4;
	s14 =	sadd.s32 $0xA00, s9;
	[sflag:s12] =	ssyncadd.s32 $0xFFFFB000  }
0x1c: {  	[hbm4b:s14+s2] =	stream.linear.scatter [tilespmem:s7], [sflag:$0x4], $0x5000, $0x38;
	[tilespmem:$0xB900] =	vst v63  }
0x1d: {  	_ =	swait.ge [sflag:s13], $0x5000  }
0x1e: {  	[sflag:s13] =	ssyncset.done $0x0  }
0x1f: {  	s15 =	simm.s32 $0x780;
	[sflag:s13] =	ssyncadd.s32 $0xFFFFB000  }
0x20: {  	[tilespmem:s7], [sflag:$0x2] =	stream.indirect.gather [hbm4b:s4+s5], $0x20, s15, s5, $0xb8;
	[tilespmem:$0xB900] =	vst v63  }
0x21: {  	_ =	swait.ge [sflag:s8], $0x5000  }
0x22: {  	[sflag:s8] =	ssyncset.done $0x0  }
0x23: {  	s16 =	sadd.s32 $0x1400, s9;
	[sflag:s8] =	ssyncadd.s32 $0xFFFFB000  }
0x24: {  	[hbm4b:s16+s2] =	stream.linear.scatter [tilespmem:s6], [sflag:$0x3], $0x5000, $0x38;
	[tilespmem:$0xB900] =	vst v63  }
0x25: {  	_ =	swait.ge [sflag:s10], $0x5000  }
0x26: {  	[sflag:s10] =	ssyncset.done $0x0  }
0x27: {  	s17 =	simm.s32 $0xA00;
	[sflag:s10] =	ssyncadd.s32 $0xFFFFB000  }
0x28: {  	[tilespmem:s6], [sflag:$0x1] =	stream.indirect.gather [hbm4b:s4+s5], $0x20, s17, s5, $0xb8;
	[tilespmem:$0xB900] =	vst v63  }
0x29: {  	_ =	swait.ge [sflag:s12], $0x5000  }
0x2a: {  	[sflag:s12] =	ssyncset.done $0x0  }
0x2b: {  	s18 =	sadd.s32 $0x1E00, s9;
	[sflag:s12] =	ssyncadd.s32 $0xFFFFB000  }
0x2c: {  	[hbm4b:s18+s2] =	stream.linear.scatter [tilespmem:s7], [sflag:$0x4], $0x5000, $0x38;
	[tilespmem:$0xB900] =	vst v63  }
0x2d: {  	_ =	swait.ge [sflag:s13], $0x5000  }
0x2e: {  	[sflag:s13] =	ssyncset.done $0x0  }
0x2f: {  	s19 =	simm.s32 $0xC80;
	[sflag:s13] =	ssyncadd.s32 $0xFFFFB000  }
0x30: {  	[tilespmem:s7], [sflag:$0x2] =	stream.indirect.gather [hbm4b:s4+s5], $0x20, s19, s5, $0xb8;
	[tilespmem:$0xB900] =	vst v63  }
0x31: {  	_ =	swait.ge [sflag:s8], $0x5000  }
0x32: {  	[sflag:s8] =	ssyncset.done $0x0  }
0x33: {  	s20 =	sadd.s32 $0x2800, s9;
	[sflag:s8] =	ssyncadd.s32 $0xFFFFB000  }
0x34: {  	[hbm4b:s20+s2] =	stream.linear.scatter [tilespmem:s6], [sflag:$0x3], $0x5000, $0x38;
	[tilespmem:$0xB900] =	vst v63  }
0x35: {  	_ =	swait.ge [sflag:s10], $0x5000  }
0x36: {  	[sflag:s10] =	ssyncset.done $0x0  }
0x37: {  	s21 =	simm.s32 $0xF00;
	[sflag:s10] =	ssyncadd.s32 $0xFFFFB000  }
0x38: {  	[tilespmem:s6], [sflag:$0x1] =	stream.indirect.gather [hbm4b:s4+s5], $0x20, s21, s5, $0xb8;
	[tilespmem:$0xB900] =	vst v63  }
0x39: {  	_ =	swait.ge [sflag:s12], $0x5000  }
0x3a: {  	[sflag:s12] =	ssyncset.done $0x0  }
0x3b: {  	s22 =	sadd.s32 $0x3200, s9;
	[sflag:s12] =	ssyncadd.s32 $0xFFFFB000  }
0x3c: {  	[hbm4b:s22+s2] =	stream.linear.scatter [tilespmem:s7], [sflag:$0x4], $0x5000, $0x38;
	[tilespmem:$0xB900] =	vst v63  }
0x3d: {  	_ =	swait.ge [sflag:s13], $0x5000  }
0x3e: {  	[sflag:s13] =	ssyncset.done $0x0  }
0x3f: {  	s23 =	simm.s32 $0x1180;
	[sflag:s13] =	ssyncadd.s32 $0xFFFFB000  }
0x40: {  	[tilespmem:s7], [sflag:$0x2] =	stream.indirect.gather [hbm4b:s4+s5], $0x20, s23, s5, $0xb8;
	[tilespmem:$0xB900] =	vst v63  }
0x41: {  	_ =	swait.ge [sflag:s8], $0x5000  }
0x42: {  	[sflag:s8] =	ssyncset.done $0x0  }
0x43: {  	s24 =	sadd.s32 $0x3C00, s9;
	[sflag:s8] =	ssyncadd.s32 $0xFFFFB000  }
0x44: {  	[hbm4b:s24+s2] =	stream.linear.scatter [tilespmem:s6], [sflag:$0x3], $0x5000, $0x38;
	[tilespmem:$0xB900] =	vst v63  }
0x45: {  	_ =	swait.ge [sflag:s10], $0x5000  }
0x46: {  	[sflag:s10] =	ssyncset.done $0x0  }
0x47: {  	s25 =	simm.s32 $0x1400;
	[sflag:s10] =	ssyncadd.s32 $0xFFFFB000  }
0x48: {  	[tilespmem:s6], [sflag:$0x1] =	stream.indirect.gather [hbm4b:s4+s5], $0x20, s25, s5, $0xb8;
	[tilespmem:$0xB900] =	vst v63  }
0x49: {  	_ =	swait.ge [sflag:s12], $0x5000  }
0x4a: {  	[sflag:s12] =	ssyncset.done $0x0  }
0x4b: {  	s26 =	sadd.s32 $0x4600, s9;
	[sflag:s12] =	ssyncadd.s32 $0xFFFFB000  }
0x4c: {  	[hbm4b:s26+s2] =	stream.linear.scatter [tilespmem:s7], [sflag:$0x4], $0x5000, $0x38;
	[tilespmem:$0xB900] =	vst v63  }
0x4d: {  	_ =	swait.ge [sflag:s13], $0x5000  }
0x4e: {  	[sflag:s13] =	ssyncset.done $0x0  }
0x4f: {  	s28 =	simm.s32 $0x1680;
	[sflag:s13] =	ssyncadd.s32 $0xFFFFB000  }
0x50: {  	[tilespmem:s7], [sflag:$0x2] =	stream.indirect.gather [hbm4b:s4+s5], $0x20, s28, s5, $0xb8;
	[tilespmem:$0xB900] =	vst v63  }
0x51: {  	_ =	swait.ge [sflag:s8], $0x5000  }
0x52: {  	s30 =	ssub.s32 $0x2, s30;
	[sflag:s8] =	ssyncset.done $0x0  }
0x53: {  	s31 =	sshrl.u32 s30, $0x1;
	s29 =	sadd.s32 $0x5000, s9;
	[sflag:s8] =	ssyncadd.s32 $0xFFFFB000  }
0x54: {  	[hbm4b:s29+s2] =	stream.linear.scatter [tilespmem:s6], [sflag:$0x3], $0x5000, $0x38;
	[tilespmem:$0xB900] =	vst v63  }
0x55: {  	s30 =	ssub.s32 s30, s31;
	_ =	swait.ge [sflag:s10], $0x5000  }
0x56: {  	s31 =	smax.u32 s30, $0x1;
	[sflag:s10] =	ssyncset.done $0x0  }
0x57: {  	p0 =	sne.s32 s31, $0x1;
	[sflag:s10] =	ssyncadd.s32 $0xFFFFB000  }
.Ltmp0:
0x58: {  	_ =	swait.ge [sflag:s12], $0x5000;
	(pc) =	sbr.rel @!p0 .LBB2_2-.Ltmp0, $4  }
0x59: {  	[sflag:s12] =	ssyncset.done $0x0  }
0x5a: {  	s30 =	sadd.s32 $0x5A00, s9;
	[sflag:s12] =	ssyncadd.s32 $0xFFFFB000  }
0x5b: {  	[hbm4b:s30+s2] =	stream.linear.scatter [tilespmem:s7], [sflag:$0x4], $0x5000, $0x38;
	[tilespmem:$0xB900] =	vst v63  }
0x5c: {  	s31 =	sadd.s32 $0xFFFFFFFF, s31;
	_ =	swait.ge [sflag:s13], $0x5000  }
.LBB2_1:
0x5d: {  	[sflag:s13] =	ssyncset.done $0x0  }
0x5e: {  	s1 =	rddreg [dreg:$0x3];
	[sflag:s13] =	ssyncadd.s32 $0xFFFFB000  }
0x5f: {  	[tilespmem:s2], [sflag:$0x5] =	stream.linear.gather [hbm4b:s1+s2], $0x1900, $0x38;
	[tilespmem:$0xB900] =	vst v63  }
0x60: {  	_ =	swait.ge [sflag:s3], $0x1900  }
0x61: {  	[sflag:s3] =	ssyncset.done $0x0  }
0x62: {  	[sflag:s3] =	ssyncadd.s32 $0xFFFFE700  }
0x63: {  	[tilespmem:s6], [sflag:$0x1] =	stream.indirect.gather [hbm4b:s4+s5], $0x20, s2, s5, $0xb8;
	[tilespmem:$0xB900] =	vst v63  }
0x64: {  	_ = 	snop  }
0x65: {  	[tilespmem:s7], [sflag:$0x2] =	stream.indirect.gather [hbm4b:s4+s5], $0x20, s5, s5, $0xb8;
	[tilespmem:$0xB900] =	vst v63  }
0x66: {  	_ =	swait.ge [sflag:s8], $0x5000  }
0x67: {  	[sflag:s8] =	ssyncset.done $0x0  }
0x68: {  	[sflag:s8] =	ssyncadd.s32 $0xFFFFB000  }
0x69: {  	[hbm4b:s9+s2] =	stream.linear.scatter [tilespmem:s6], [sflag:$0x3], $0x5000, $0x38;
	[tilespmem:$0xB900] =	vst v63  }
0x6a: {  	_ =	swait.ge [sflag:s10], $0x5000  }
0x6b: {  	[sflag:s10] =	ssyncset.done $0x0  }
0x6c: {  	[sflag:s10] =	ssyncadd.s32 $0xFFFFB000  }
0x6d: {  	[tilespmem:s6], [sflag:$0x1] =	stream.indirect.gather [hbm4b:s4+s5], $0x20, s11, s5, $0xb8;
	[tilespmem:$0xB900] =	vst v63  }
0x6e: {  	_ =	swait.ge [sflag:s12], $0x5000  }
0x6f: {  	[sflag:s12] =	ssyncset.done $0x0  }
0x70: {  	[sflag:s12] =	ssyncadd.s32 $0xFFFFB000  }
0x71: {  	[hbm4b:s14+s2] =	stream.linear.scatter [tilespmem:s7], [sflag:$0x4], $0x5000, $0x38;
	[tilespmem:$0xB900] =	vst v63  }
0x72: {  	_ =	swait.ge [sflag:s13], $0x5000  }
0x73: {  	[sflag:s13] =	ssyncset.done $0x0  }
0x74: {  	[sflag:s13] =	ssyncadd.s32 $0xFFFFB000  }
0x75: {  	[tilespmem:s7], [sflag:$0x2] =	stream.indirect.gather [hbm4b:s4+s5], $0x20, s15, s5, $0xb8;
	[tilespmem:$0xB900] =	vst v63  }
0x76: {  	_ =	swait.ge [sflag:s8], $0x5000  }
0x77: {  	[sflag:s8] =	ssyncset.done $0x0  }
0x78: {  	[sflag:s8] =	ssyncadd.s32 $0xFFFFB000  }
0x79: {  	[hbm4b:s16+s2] =	stream.linear.scatter [tilespmem:s6], [sflag:$0x3], $0x5000, $0x38;
	[tilespmem:$0xB900] =	vst v63  }
0x7a: {  	_ =	swait.ge [sflag:s10], $0x5000  }
0x7b: {  	[sflag:s10] =	ssyncset.done $0x0  }
0x7c: {  	[sflag:s10] =	ssyncadd.s32 $0xFFFFB000  }
0x7d: {  	[tilespmem:s6], [sflag:$0x1] =	stream.indirect.gather [hbm4b:s4+s5], $0x20, s17, s5, $0xb8;
	[tilespmem:$0xB900] =	vst v63  }
0x7e: {  	_ =	swait.ge [sflag:s12], $0x5000  }
0x7f: {  	[sflag:s12] =	ssyncset.done $0x0  }
0x80: {  	[sflag:s12] =	ssyncadd.s32 $0xFFFFB000  }
0x81: {  	[hbm4b:s18+s2] =	stream.linear.scatter [tilespmem:s7], [sflag:$0x4], $0x5000, $0x38;
	[tilespmem:$0xB900] =	vst v63  }
0x82: {  	_ =	swait.ge [sflag:s13], $0x5000  }
0x83: {  	[sflag:s13] =	ssyncset.done $0x0  }
0x84: {  	[sflag:s13] =	ssyncadd.s32 $0xFFFFB000  }
0x85: {  	[tilespmem:s7], [sflag:$0x2] =	stream.indirect.gather [hbm4b:s4+s5], $0x20, s19, s5, $0xb8;
	[tilespmem:$0xB900] =	vst v63  }
0x86: {  	_ =	swait.ge [sflag:s8], $0x5000  }
0x87: {  	[sflag:s8] =	ssyncset.done $0x0  }
0x88: {  	[sflag:s8] =	ssyncadd.s32 $0xFFFFB000  }
0x89: {  	[hbm4b:s20+s2] =	stream.linear.scatter [tilespmem:s6], [sflag:$0x3], $0x5000, $0x38;
	[tilespmem:$0xB900] =	vst v63  }
0x8a: {  	_ =	swait.ge [sflag:s10], $0x5000  }
0x8b: {  	[sflag:s10] =	ssyncset.done $0x0  }
0x8c: {  	[sflag:s10] =	ssyncadd.s32 $0xFFFFB000  }
0x8d: {  	[tilespmem:s6], [sflag:$0x1] =	stream.indirect.gather [hbm4b:s4+s5], $0x20, s21, s5, $0xb8;
	[tilespmem:$0xB900] =	vst v63  }
0x8e: {  	_ =	swait.ge [sflag:s12], $0x5000  }
0x8f: {  	[sflag:s12] =	ssyncset.done $0x0  }
0x90: {  	[sflag:s12] =	ssyncadd.s32 $0xFFFFB000  }
0x91: {  	[hbm4b:s22+s2] =	stream.linear.scatter [tilespmem:s7], [sflag:$0x4], $0x5000, $0x38;
	[tilespmem:$0xB900] =	vst v63  }
0x92: {  	_ =	swait.ge [sflag:s13], $0x5000  }
0x93: {  	[sflag:s13] =	ssyncset.done $0x0  }
0x94: {  	[sflag:s13] =	ssyncadd.s32 $0xFFFFB000  }
0x95: {  	[tilespmem:s7], [sflag:$0x2] =	stream.indirect.gather [hbm4b:s4+s5], $0x20, s23, s5, $0xb8;
	[tilespmem:$0xB900] =	vst v63  }
0x96: {  	_ =	swait.ge [sflag:s8], $0x5000  }
0x97: {  	[sflag:s8] =	ssyncset.done $0x0  }
0x98: {  	[sflag:s8] =	ssyncadd.s32 $0xFFFFB000  }
0x99: {  	[hbm4b:s24+s2] =	stream.linear.scatter [tilespmem:s6], [sflag:$0x3], $0x5000, $0x38;
	[tilespmem:$0xB900] =	vst v63  }
0x9a: {  	_ =	swait.ge [sflag:s10], $0x5000  }
0x9b: {  	[sflag:s10] =	ssyncset.done $0x0  }
0x9c: {  	[sflag:s10] =	ssyncadd.s32 $0xFFFFB000  }
0x9d: {  	[tilespmem:s6], [sflag:$0x1] =	stream.indirect.gather [hbm4b:s4+s5], $0x20, s25, s5, $0xb8;
	[tilespmem:$0xB900] =	vst v63  }
0x9e: {  	_ =	swait.ge [sflag:s12], $0x5000  }
0x9f: {  	[sflag:s12] =	ssyncset.done $0x0  }
0xa0: {  	[sflag:s12] =	ssyncadd.s32 $0xFFFFB000  }
0xa1: {  	[hbm4b:s26+s2] =	stream.linear.scatter [tilespmem:s7], [sflag:$0x4], $0x5000, $0x38;
	[tilespmem:$0xB900] =	vst v63  }
0xa2: {  	_ =	swait.ge [sflag:s13], $0x5000  }
0xa3: {  	[sflag:s13] =	ssyncset.done $0x0  }
0xa4: {  	[sflag:s13] =	ssyncadd.s32 $0xFFFFB000  }
0xa5: {  	[tilespmem:s7], [sflag:$0x2] =	stream.indirect.gather [hbm4b:s4+s5], $0x20, s28, s5, $0xb8;
	[tilespmem:$0xB900] =	vst v63  }
0xa6: {  	_ =	swait.ge [sflag:s8], $0x5000  }
0xa7: {  	[sflag:s8] =	ssyncset.done $0x0  }
0xa8: {  	[sflag:s8] =	ssyncadd.s32 $0xFFFFB000  }
0xa9: {  	[hbm4b:s29+s2] =	stream.linear.scatter [tilespmem:s6], [sflag:$0x3], $0x5000, $0x38;
	[tilespmem:$0xB900] =	vst v63  }
0xaa: {  	_ =	swait.ge [sflag:s10], $0x5000  }
0xab: {  	[sflag:s10] =	ssyncset.done $0x0  }
0xac: {  	p0 =	sne.s32 s31, $0x1;
	[sflag:s10] =	ssyncadd.s32 $0xFFFFB000  }
.Ltmp1:
0xad: {  	_ =	swait.ge [sflag:s12], $0x5000;
	(pc) =	sbr.rel @p0 .LBB2_1-.Ltmp1, $4  }
0xae: {  	[sflag:s12] =	ssyncset.done $0x0  }
0xaf: {  	[sflag:s12] =	ssyncadd.s32 $0xFFFFB000  }
0xb0: {  	[hbm4b:s30+s2] =	stream.linear.scatter [tilespmem:s7], [sflag:$0x4], $0x5000, $0x38;
	[tilespmem:$0xB900] =	vst v63  }
0xb1: {  	s31 =	sadd.s32 $0xFFFFFFFF, s31;
	_ =	swait.ge [sflag:s13], $0x5000  }
.LBB2_2:
0xb2: {  	[sflag:s13] =	ssyncset.done $0x0  }
0xb3: {  	[sflag:s13] =	ssyncadd.s32 $0xFFFFB000  }
0xb4: {  	_ =	sfence.sel $0x180000  }
0xb5: {  	[bflag:$0x0] =	sbarrier.arrive $0xFFFF  }
0xb6: {  	_ =	strace $0x90000047  }
0xb7: {  	[bflag:$0x2] =	sbarrier.arrive $0xFFFF  }
0xb8: {  	p0 =	sne.s32 s0, $0x0;
	s0 =	rddreg [dreg:$0x2]  }
0xb9: {  	s0 =	sadd.s32 @!p0 $0x100000, s0  }
0xba: {  	[sflag:s0] =	ssyncadd.tile.s32 @!p0 $0x1;
	_ =	shalt  }
.Lfunc_end2:
_tile_overlayer_lowered:
.L_overlay_start_2:
0xbb: {  	(tag) =	ssettag $0x2  }
0xbc: {  	s0 =	rddreg [dreg:$0x0];
	s2 =	stileid.u32  }
0xbd: {  	s1 =	rddreg [dreg:$0x1];
	p0 =	sne.s32 s2, $0x0  }
0xbe: {  	s3 =	rddreg [dreg:$0x2];
	[bflag:$0x3] =	sbarrier.arrive $0xFFFF;
	s2 =	simm.s32 @!p0 $0x1C05  }
0xbf: {  	[timem:s3], [sflag:s2] =	dma.local @!p0 [hbm:s0], s1  }
0xc0: {  	s0 =	simm.s32 @!p0 $0x5  }
0xc1: {  	_ =	swait.ge @!p0 [sflag:s0], s1  }
0xc2: {  	s1 =	ssub.s32 @!p0 $0x0, s1;
	[sflag:s0] =	ssyncset.done @!p0 $0x0  }
0xc3: {  	[sflag:s0] =	ssyncadd.s32 @!p0 s1  }
0xc4: {  	[bflag:$0x3] =	sbarrier.arrive $0xFFFF  }
0xc5: {  	_ =	shalt  }

</sc_bundles>
